<compile_context>
chip_gen: v7x
topology: tpu7x:2x2x1
jax: 0.10.2.dev20260603
libtpu: 0.0.44.dev20260713+nightly
codegen_flags: <defaults>
</compile_context>

<pallas_src>
import functools
import math

import jax
import jax.numpy as jnp
from jax import lax
from jax.experimental import pallas as pl
from jax.experimental.pallas import tpu as pltpu
from jax.experimental.pallas import tpu_sc as plsc

NC = 2
NS = 16
NW = NC * NS
L = 16
DIM = 32
SCALE = math.sqrt(float(DIM))
CHUNK = 800
XROWS = CHUNK // 50


@functools.partial(jax.jit, static_argnames=("n_total",))
def _sc_embed(x, table, n_total):
    b_per_w = n_total // NW
    n_chunks = b_per_w // CHUNK
    mesh = plsc.VectorSubcoreMesh(
        core_axis_name="c", subcore_axis_name="s",
        num_cores=NC, num_subcores=NS)

    @functools.partial(
        pl.kernel,
        mesh=mesh,
        out_type=jax.ShapeDtypeStruct((50, DIM, n_total // 50), jnp.float32),
        scratch_types=[
            pltpu.VMEM((b_per_w,), jnp.int32),
            pltpu.VMEM((CHUNK, DIM), jnp.float32),
            pltpu.VMEM((CHUNK, DIM), jnp.float32),
            pltpu.VMEM((50, DIM, XROWS), jnp.float32),
            pltpu.VMEM((50, DIM, XROWS), jnp.float32),
            pltpu.SemaphoreType.DMA,
            pltpu.SemaphoreType.DMA,
            pltpu.SemaphoreType.DMA,
            pltpu.SemaphoreType.DMA,
        ],
        compiler_params=pltpu.CompilerParams(use_tc_tiling_on_sc=False,
                                             needs_layout_passes=False),
    )
    def k(x_hbm, table_hbm, out_hbm, idx_v, rows0, rows1, tv0, tv1,
          g0, g1, o0, o1):
        rows = (rows0, rows1)
        tvs = (tv0, tv1)
        gsem = (g0, g1)
        osem = (o0, o1)
        wid = lax.axis_index("s") * NC + lax.axis_index("c")
        base = wid * b_per_w
        lanes = lax.iota(jnp.int32, L)

        pltpu.sync_copy(x_hbm.at[pl.ds(pl.multiple_of(base, 8), b_per_w)],
                        idx_v)

        def idx_slice(c):
            return idx_v.at[pl.ds(c * CHUNK, CHUNK)]

        def start_gather(c, b):
            pltpu.async_copy(table_hbm.at[idx_slice(c)], rows[b], gsem[b])

        def wait_gather(b):
            pltpu.make_async_copy(table_hbm.at[idx_slice(0)], rows[b],
                                  gsem[b]).wait()

        def out_slice(c):
            r0 = wid * n_chunks * XROWS + c * XROWS
            return out_hbm.at[:, :, pl.ds(r0, XROWS)]

        def start_out(c, b):
            pltpu.async_copy(tvs[b], out_slice(c), osem[b])

        def wait_out(c, b):
            pltpu.make_async_copy(tvs[b], out_slice(c), osem[b]).wait()

        def transpose_scale(b):
            rv, tv = rows[b], tvs[b]

            def t_body(t, carry2):
                ridx = lanes * 50 + t

                @plsc.parallel_loop(0, DIM, unroll=8)
                def d_body(d):
                    v = plsc.load_gather(rv, [ridx, jnp.full((L,), d,
                                                             jnp.int32)])
                    tv[t, d, :] = v

                return carry2

            lax.fori_loop(0, 50, t_body, 0)

        start_gather(0, 0)

        def outer(o, carry):
            for b in range(2):
                c = 2 * o + b
                wait_gather(b)

                @pl.when(c + 1 < n_chunks)
                def _():
                    start_gather(c + 1, 1 - b)

                @pl.when(c >= 2)
                def _():
                    wait_out(c - 2, b)

                transpose_scale(b)
                start_out(c, b)
            return carry

        lax.fori_loop(0, n_chunks // 2, outer, 0)
        wait_out(n_chunks - 2, 0)
        wait_out(n_chunks - 1, 1)

    return k(x, table)


_TW = 7680


def _lin_body(in_ref, out_ref):
    pack = 128 // DIM
    for j in range(_TW // 128):
        y = in_ref[:, pl.ds(j * 128, 128)].T
        z = y.reshape(128 // pack, pack, DIM)
        out_ref[pl.ds(j * (128 // pack), 128 // pack), :] = jnp.concatenate(
            [z[:, f, :] for f in range(pack)], axis=-1) * SCALE


def _tc_linearize(tT):
    v = tT.shape[1]
    return pl.pallas_call(
        _lin_body,
        grid=((v + _TW - 1) // _TW,),
        in_specs=[pl.BlockSpec((DIM, _TW), lambda i: (0, i))],
        out_specs=pl.BlockSpec((_TW * DIM // 128, 128), lambda i: (i, 0)),
        out_shape=jax.ShapeDtypeStruct((v * DIM // 128, 128), jnp.float32),
    )(tT)


def kernel(x, table):
    xf = x.reshape(-1)
    t_lin = _tc_linearize(table.T).reshape(table.shape)
    raw = _sc_embed(xf, t_lin, xf.shape[0])
    return jnp.transpose(raw, (2, 0, 1))

# --- scband reference (transcript-rebuilt; emitter-appended) ---
"""Pipeline reference for scband-token-embedding-46883863003571 (READ-ONLY COPY).

The authoritative reference and input builder live on the scoring server;
editing this copy changes nothing except your own understanding.
"""

import jax, jax.numpy as jnp
import numpy as np

VOCAB = 1000000
DIM = 32

def setup_inputs(seed: int = 0) -> dict:
    key = jax.random.key(seed)
    k1, k2 = jax.random.split(key)
    x = jax.random.randint(k1, (16384, 50), 0, VOCAB, dtype=jnp.int64 if jax.config.read('jax_enable_x64') else jnp.int32)
    table = jax.random.normal(k2, (VOCAB, DIM), dtype=jnp.float32)
    return {"x": x, "table": table}

def reference(x, table):
    # TokenEmbedding.forward: embedding(x) * sqrt(dim)
    emb = jnp.take(table, x, axis=0)
    return emb * np.sqrt(DIM)

if __name__ == "__main__":
    import jax
    _d = setup_inputs()
    print(jax.jit(kernel)(*tuple(_d.values())))

</pallas_src>

<mosaic_0001>
#map = affine_map<(d0, d1) -> (0)>
#map1 = affine_map<(d0, d1) -> (0, 0)>
#map2 = affine_map<(d0, d1) -> (0, 0, 0)>
module attributes {stable_mosaic.version = 14 : i64} {
  func.func @k(%arg0: i32, %arg1: i32, %arg2: memref<819200xi32, #tpu.memory_space<hbm>>, %arg3: memref<1000000x32xf32, #tpu.memory_space<hbm>>, %arg4: memref<50x32x16384xf32, #tpu.memory_space<hbm>>, %arg5: memref<25600xi32, #tpu.memory_space<vmem>>, %arg6: memref<800x32xf32, #tpu.memory_space<vmem>>, %arg7: memref<800x32xf32, #tpu.memory_space<vmem>>, %arg8: memref<50x32x16xf32, #tpu.memory_space<vmem>>, %arg9: memref<50x32x16xf32, #tpu.memory_space<vmem>>, %arg10: memref<!tpu.dma_semaphore, #tpu.memory_space<semaphore_mem>>, %arg11: memref<!tpu.dma_semaphore, #tpu.memory_space<semaphore_mem>>, %arg12: memref<!tpu.dma_semaphore, #tpu.memory_space<semaphore_mem>>, %arg13: memref<!tpu.dma_semaphore, #tpu.memory_space<semaphore_mem>>) attributes {dimension_semantics = [#tpu.dimension_semantics<core_parallel>, #tpu.dimension_semantics<subcore_parallel>], iteration_bounds = array<i64: 2, 16>, scalar_prefetch = 0 : i64, scratch_operands = 9 : i64, tpu.core_type = #tpu.core_type<sc_vector_subcore>, window_params = [{transform_indices = #map}, {transform_indices = #map1}, {transform_indices = #map2}]} {
    %mul3A = arith.constant 2 : i32
    %mul3A_0 = arith.muli %arg1, %mul3A : i32
    %add3A = arith.addi %mul3A_0, %arg0 : i32
    %mul3A_1 = arith.constant 25600 : i32
    %mul3A_2 = arith.muli %add3A, %mul3A_1 : i32
    %iota3A = tpu.iota {dimensions = array<i32: 0>} : vector<16xi32>
    %multiple_of3A = tpu.assume_multiple %mul3A_2, 8 : i32
    "tpu.region"() ({
      %run_scoped3A = tpu.sem_alloc : memref<!tpu.dma_semaphore, #tpu.memory_space<semaphore_mem>>
      %dma_start3A_35 = tpu.memref_slice %arg2[%multiple_of3A] : memref<819200xi32, #tpu.memory_space<hbm>> -> memref<25600xi32, #tpu.memory_space<hbm>>
      %dma_start3A_36 = tpu.memref_slice %arg2[%multiple_of3A] : memref<819200xi32, #tpu.memory_space<hbm>> -> memref<25600xi32, #tpu.memory_space<hbm>>
      tpu.enqueue_dma source(%dma_start3A_36 : memref<25600xi32, #tpu.memory_space<hbm>>) target(%arg5 : memref<25600xi32, #tpu.memory_space<vmem>>) target_semaphore(%run_scoped3A : memref<!tpu.dma_semaphore, #tpu.memory_space<semaphore_mem>>)
      %dma_wait3A_37 = tpu.memref_slice %arg2[%multiple_of3A] : memref<819200xi32, #tpu.memory_space<hbm>> -> memref<25600xi32, #tpu.memory_space<hbm>>
      %dma_wait3A_38 = tpu.memref_slice %arg2[%multiple_of3A] : memref<819200xi32, #tpu.memory_space<hbm>> -> memref<25600xi32, #tpu.memory_space<hbm>>
      tpu.wait_dma2 semaphore(%run_scoped3A : memref<!tpu.dma_semaphore, #tpu.memory_space<semaphore_mem>>) src(%dma_wait3A_38 : memref<25600xi32, #tpu.memory_space<hbm>>) dst(%arg5 : memref<25600xi32, #tpu.memory_space<vmem>>)
      tpu.yield
    }) : () -> ()
    %dma_start3A = arith.constant 0 : i32
    %dma_start3A_3 = tpu.memref_slice %arg5[%dma_start3A] : memref<25600xi32, #tpu.memory_space<vmem>> -> memref<800xi32, #tpu.memory_space<vmem>>
    %dma_start3A_4 = arith.constant 0 : i32
    %dma_start3A_5 = arith.constant 0 : i32
    %dma_start3A_6 = tpu.memref_slice %arg3[%dma_start3A_4, %dma_start3A_5] : memref<1000000x32xf32, #tpu.memory_space<hbm>> -> memref<1000000x32xf32, #tpu.memory_space<hbm>>
    tpu.enqueue_indirect_dma source(%dma_start3A_6 : memref<1000000x32xf32, #tpu.memory_space<hbm>>) target(%arg6 : memref<800x32xf32, #tpu.memory_space<vmem>>) offsets(%dma_start3A_3 : memref<800xi32, #tpu.memory_space<vmem>>) semaphore(%arg10 : memref<!tpu.dma_semaphore, #tpu.memory_space<semaphore_mem>>)
    %scan3A = arith.constant 0 : i32
    %scan3A_7 = arith.constant 0 : i32
    %scan3A_8 = arith.constant 16 : i32
    %scan3A_9 = arith.addi %scan3A_7, %scan3A_8 : i32
    %scan3A_10 = arith.constant 1 : i32
    scf.for %scan3A_35 = %scan3A_7 to %scan3A_9 step %scan3A_10  : i32 {
      %mul3A_36 = arith.constant 2 : i32
      %mul3A_37 = arith.muli %mul3A_36, %scan3A_35 : i32
      %add3A_38 = arith.constant 0 : i32
      %add3A_39 = arith.addi %mul3A_37, %add3A_38 : i32
      %dma_wait3A_40 = arith.constant 0 : i32
      %dma_wait3A_41 = tpu.memref_slice %arg5[%dma_wait3A_40] : memref<25600xi32, #tpu.memory_space<vmem>> -> memref<800xi32, #tpu.memory_space<vmem>>
      %dma_wait3A_42 = arith.constant 0 : i32
      %dma_wait3A_43 = arith.constant 0 : i32
      %dma_wait3A_44 = tpu.memref_slice %arg3[%dma_wait3A_42, %dma_wait3A_43] : memref<1000000x32xf32, #tpu.memory_space<hbm>> -> memref<1000000x32xf32, #tpu.memory_space<hbm>>
      tpu.wait_indirect_dma semaphore(%arg10 : memref<!tpu.dma_semaphore, #tpu.memory_space<semaphore_mem>>) src(%dma_wait3A_44 : memref<1000000x32xf32, #tpu.memory_space<hbm>>) dst(%arg6 : memref<800x32xf32, #tpu.memory_space<vmem>>)
      %add3A_45 = arith.constant 1 : i32
      %add3A_46 = arith.addi %add3A_39, %add3A_45 : i32
      %lt3A = arith.constant 32 : i32
      %lt3A_47 = arith.cmpi slt, %add3A_46, %lt3A : i32
      %convert_element_type3A = arith.extui %lt3A_47 : i1 to i32
      %cond3A = arith.constant 0 : i32
      %cond3A_48 = arith.cmpi ne, %convert_element_type3A, %cond3A : i32
      scf.if %cond3A_48 {
        %add3A_112 = arith.constant 1 : i32
        %add3A_113 = arith.addi %add3A_39, %add3A_112 : i32
        %mul3A_114 = arith.constant 800 : i32
        %mul3A_115 = arith.muli %add3A_113, %mul3A_114 : i32
        %dma_start3A_116 = tpu.memref_slice %arg5[%mul3A_115] : memref<25600xi32, #tpu.memory_space<vmem>> -> memref<800xi32, #tpu.memory_space<vmem>>
        %dma_start3A_117 = arith.constant 0 : i32
        %dma_start3A_118 = arith.constant 0 : i32
        %dma_start3A_119 = tpu.memref_slice %arg3[%dma_start3A_117, %dma_start3A_118] : memref<1000000x32xf32, #tpu.memory_space<hbm>> -> memref<1000000x32xf32, #tpu.memory_space<hbm>>
        tpu.enqueue_indirect_dma source(%dma_start3A_119 : memref<1000000x32xf32, #tpu.memory_space<hbm>>) target(%arg7 : memref<800x32xf32, #tpu.memory_space<vmem>>) offsets(%dma_start3A_116 : memref<800xi32, #tpu.memory_space<vmem>>) semaphore(%arg11 : memref<!tpu.dma_semaphore, #tpu.memory_space<semaphore_mem>>)
      } else {
      }
      %ge3A = arith.constant 2 : i32
      %ge3A_49 = arith.cmpi sge, %add3A_39, %ge3A : i32
      %convert_element_type3A_50 = arith.extui %ge3A_49 : i1 to i32
      %cond3A_51 = arith.constant 0 : i32
      %cond3A_52 = arith.cmpi ne, %convert_element_type3A_50, %cond3A_51 : i32
      scf.if %cond3A_52 {
        %sub3A = arith.constant 2 : i32
        %sub3A_112 = arith.subi %add3A_39, %sub3A : i32
        %mul3A_113 = arith.constant 32 : i32
        %mul3A_114 = arith.muli %add3A, %mul3A_113 : i32
        %mul3A_115 = arith.constant 16 : i32
        %mul3A_116 = arith.muli %mul3A_114, %mul3A_115 : i32
        %mul3A_117 = arith.constant 16 : i32
        %mul3A_118 = arith.muli %sub3A_112, %mul3A_117 : i32
        %add3A_119 = arith.addi %mul3A_116, %mul3A_118 : i32
        %dma_wait3A_120 = arith.constant 0 : i32
        %dma_wait3A_121 = arith.constant 0 : i32
        %dma_wait3A_122 = tpu.memref_slice %arg4[%dma_wait3A_120, %dma_wait3A_121, %add3A_119] : memref<50x32x16384xf32, #tpu.memory_space<hbm>> -> memref<50x32x16xf32, #tpu.memory_space<hbm>>
        %dma_wait3A_123 = arith.constant 0 : i32
        %dma_wait3A_124 = arith.constant 0 : i32
        %dma_wait3A_125 = tpu.memref_slice %arg4[%dma_wait3A_123, %dma_wait3A_124, %add3A_119] : memref<50x32x16384xf32, #tpu.memory_space<hbm>> -> memref<50x32x16xf32, #tpu.memory_space<hbm>>
        tpu.wait_dma2 semaphore(%arg12 : memref<!tpu.dma_semaphore, #tpu.memory_space<semaphore_mem>>) src(%arg8 : memref<50x32x16xf32, #tpu.memory_space<vmem>>) dst(%dma_wait3A_125 : memref<50x32x16xf32, #tpu.memory_space<hbm>>)
      } else {
      }
      %scan3A_53 = arith.constant 0 : i32
      %scan3A_54 = arith.constant 0 : i32
      %scan3A_55 = arith.constant 50 : i32
      %scan3A_56 = arith.addi %scan3A_54, %scan3A_55 : i32
      %scan3A_57 = arith.constant 1 : i32
      scf.for %scan3A_112 = %scan3A_54 to %scan3A_56 step %scan3A_57  : i32 {
        %mul3A_113 = arith.constant 50 : i32
        %mul3A_114 = vector.broadcast %mul3A_113 : i32 to vector<16xi32>
        %mul3A_115 = arith.muli %iota3A, %mul3A_114 : vector<16xi32>
        %add3A_116 = vector.broadcast %scan3A_112 : i32 to vector<16xi32>
        %add3A_117 = arith.addi %mul3A_115, %add3A_116 : vector<16xi32>
        %parallel_loop3A = arith.constant 0 : i32
        %parallel_loop3A_118 = arith.constant 32 : i32
        %parallel_loop3A_119 = arith.constant 1 : i32
        scf.for %parallel_loop3A_120 = %parallel_loop3A to %parallel_loop3A_118 step %parallel_loop3A_119  : i32 {
          %parallel_loop3A_121 = vector.broadcast %parallel_loop3A_120 : i32 to vector<16xi32>
          %parallel_loop3A_122 = tpu.vector_load_idx %arg6[%add3A_117, %parallel_loop3A_121] : memref<800x32xf32, #tpu.memory_space<vmem>>[vector<16xi32>, vector<16xi32>], vector<16xf32>,
          %parallel_loop3A_123 = arith.index_cast %scan3A_112 : i32 to index
          %parallel_loop3A_124 = arith.index_cast %parallel_loop3A_120 : i32 to index
          %parallel_loop3A_125 = arith.constant 0 : index
          %parallel_loop3A_126 = tpu.vector_load %arg8[%parallel_loop3A_123, %parallel_loop3A_124, %parallel_loop3A_125] {strides = array<i32>} : memref<50x32x16xf32, #tpu.memory_space<vmem>>, vector<16xf32>,
          tpu.vector_store %arg8[%parallel_loop3A_123, %parallel_loop3A_124, %parallel_loop3A_125], %parallel_loop3A_122 {strides = array<i32>} : memref<50x32x16xf32, #tpu.memory_space<vmem>>, vector<16xf32>,
        } {sc.loop_unroll_factor = 8 : i64, sc.parallel_access}
      }
      %scan3A_58 = arith.constant 50 : i32
      %mul3A_59 = arith.constant 32 : i32
      %mul3A_60 = arith.muli %add3A, %mul3A_59 : i32
      %mul3A_61 = arith.constant 16 : i32
      %mul3A_62 = arith.muli %mul3A_60, %mul3A_61 : i32
      %mul3A_63 = arith.constant 16 : i32
      %mul3A_64 = arith.muli %add3A_39, %mul3A_63 : i32
      %add3A_65 = arith.addi %mul3A_62, %mul3A_64 : i32
      %dma_start3A_66 = arith.constant 0 : i32
      %dma_start3A_67 = arith.constant 0 : i32
      %dma_start3A_68 = tpu.memref_slice %arg4[%dma_start3A_66, %dma_start3A_67, %add3A_65] : memref<50x32x16384xf32, #tpu.memory_space<hbm>> -> memref<50x32x16xf32, #tpu.memory_space<hbm>>
      %dma_start3A_69 = arith.constant 0 : i32
      %dma_start3A_70 = arith.constant 0 : i32
      %dma_start3A_71 = tpu.memref_slice %arg4[%dma_start3A_69, %dma_start3A_70, %add3A_65] : memref<50x32x16384xf32, #tpu.memory_space<hbm>> -> memref<50x32x16xf32, #tpu.memory_space<hbm>>
      tpu.enqueue_dma source(%arg8 : memref<50x32x16xf32, #tpu.memory_space<vmem>>) target(%dma_start3A_71 : memref<50x32x16xf32, #tpu.memory_space<hbm>>) target_semaphore(%arg12 : memref<!tpu.dma_semaphore, #tpu.memory_space<semaphore_mem>>)
      %mul3A_72 = arith.constant 2 : i32
      %mul3A_73 = arith.muli %mul3A_72, %scan3A_35 : i32
      %add3A_74 = arith.constant 1 : i32
      %add3A_75 = arith.addi %mul3A_73, %add3A_74 : i32
      %dma_wait3A_76 = arith.constant 0 : i32
      %dma_wait3A_77 = tpu.memref_slice %arg5[%dma_wait3A_76] : memref<25600xi32, #tpu.memory_space<vmem>> -> memref<800xi32, #tpu.memory_space<vmem>>
      %dma_wait3A_78 = arith.constant 0 : i32
      %dma_wait3A_79 = arith.constant 0 : i32
      %dma_wait3A_80 = tpu.memref_slice %arg3[%dma_wait3A_78, %dma_wait3A_79] : memref<1000000x32xf32, #tpu.memory_space<hbm>> -> memref<1000000x32xf32, #tpu.memory_space<hbm>>
      tpu.wait_indirect_dma semaphore(%arg11 : memref<!tpu.dma_semaphore, #tpu.memory_space<semaphore_mem>>) src(%dma_wait3A_80 : memref<1000000x32xf32, #tpu.memory_space<hbm>>) dst(%arg7 : memref<800x32xf32, #tpu.memory_space<vmem>>)
      %add3A_81 = arith.constant 1 : i32
      %add3A_82 = arith.addi %add3A_75, %add3A_81 : i32
      %lt3A_83 = arith.constant 32 : i32
      %lt3A_84 = arith.cmpi slt, %add3A_82, %lt3A_83 : i32
      %convert_element_type3A_85 = arith.extui %lt3A_84 : i1 to i32
      %cond3A_86 = arith.constant 0 : i32
      %cond3A_87 = arith.cmpi ne, %convert_element_type3A_85, %cond3A_86 : i32
      scf.if %cond3A_87 {
        %add3A_112 = arith.constant 1 : i32
        %add3A_113 = arith.addi %add3A_75, %add3A_112 : i32
        %mul3A_114 = arith.constant 800 : i32
        %mul3A_115 = arith.muli %add3A_113, %mul3A_114 : i32
        %dma_start3A_116 = tpu.memref_slice %arg5[%mul3A_115] : memref<25600xi32, #tpu.memory_space<vmem>> -> memref<800xi32, #tpu.memory_space<vmem>>
        %dma_start3A_117 = arith.constant 0 : i32
        %dma_start3A_118 = arith.constant 0 : i32
        %dma_start3A_119 = tpu.memref_slice %arg3[%dma_start3A_117, %dma_start3A_118] : memref<1000000x32xf32, #tpu.memory_space<hbm>> -> memref<1000000x32xf32, #tpu.memory_space<hbm>>
        tpu.enqueue_indirect_dma source(%dma_start3A_119 : memref<1000000x32xf32, #tpu.memory_space<hbm>>) target(%arg6 : memref<800x32xf32, #tpu.memory_space<vmem>>) offsets(%dma_start3A_116 : memref<800xi32, #tpu.memory_space<vmem>>) semaphore(%arg10 : memref<!tpu.dma_semaphore, #tpu.memory_space<semaphore_mem>>)
      } else {
      }
      %ge3A_88 = arith.constant 2 : i32
      %ge3A_89 = arith.cmpi sge, %add3A_75, %ge3A_88 : i32
      %convert_element_type3A_90 = arith.extui %ge3A_89 : i1 to i32
      %cond3A_91 = arith.constant 0 : i32
      %cond3A_92 = arith.cmpi ne, %convert_element_type3A_90, %cond3A_91 : i32
      scf.if %cond3A_92 {
        %sub3A = arith.constant 2 : i32
        %sub3A_112 = arith.subi %add3A_75, %sub3A : i32
        %mul3A_113 = arith.constant 32 : i32
        %mul3A_114 = arith.muli %add3A, %mul3A_113 : i32
        %mul3A_115 = arith.constant 16 : i32
        %mul3A_116 = arith.muli %mul3A_114, %mul3A_115 : i32
        %mul3A_117 = arith.constant 16 : i32
        %mul3A_118 = arith.muli %sub3A_112, %mul3A_117 : i32
        %add3A_119 = arith.addi %mul3A_116, %mul3A_118 : i32
        %dma_wait3A_120 = arith.constant 0 : i32
        %dma_wait3A_121 = arith.constant 0 : i32
        %dma_wait3A_122 = tpu.memref_slice %arg4[%dma_wait3A_120, %dma_wait3A_121, %add3A_119] : memref<50x32x16384xf32, #tpu.memory_space<hbm>> -> memref<50x32x16xf32, #tpu.memory_space<hbm>>
        %dma_wait3A_123 = arith.constant 0 : i32
        %dma_wait3A_124 = arith.constant 0 : i32
        %dma_wait3A_125 = tpu.memref_slice %arg4[%dma_wait3A_123, %dma_wait3A_124, %add3A_119] : memref<50x32x16384xf32, #tpu.memory_space<hbm>> -> memref<50x32x16xf32, #tpu.memory_space<hbm>>
        tpu.wait_dma2 semaphore(%arg13 : memref<!tpu.dma_semaphore, #tpu.memory_space<semaphore_mem>>) src(%arg9 : memref<50x32x16xf32, #tpu.memory_space<vmem>>) dst(%dma_wait3A_125 : memref<50x32x16xf32, #tpu.memory_space<hbm>>)
      } else {
      }
      %scan3A_93 = arith.constant 0 : i32
      %scan3A_94 = arith.constant 0 : i32
      %scan3A_95 = arith.constant 50 : i32
      %scan3A_96 = arith.addi %scan3A_94, %scan3A_95 : i32
      %scan3A_97 = arith.constant 1 : i32
      scf.for %scan3A_112 = %scan3A_94 to %scan3A_96 step %scan3A_97  : i32 {
        %mul3A_113 = arith.constant 50 : i32
        %mul3A_114 = vector.broadcast %mul3A_113 : i32 to vector<16xi32>
        %mul3A_115 = arith.muli %iota3A, %mul3A_114 : vector<16xi32>
        %add3A_116 = vector.broadcast %scan3A_112 : i32 to vector<16xi32>
        %add3A_117 = arith.addi %mul3A_115, %add3A_116 : vector<16xi32>
        %parallel_loop3A = arith.constant 0 : i32
        %parallel_loop3A_118 = arith.constant 32 : i32
        %parallel_loop3A_119 = arith.constant 1 : i32
        scf.for %parallel_loop3A_120 = %parallel_loop3A to %parallel_loop3A_118 step %parallel_loop3A_119  : i32 {
          %parallel_loop3A_121 = vector.broadcast %parallel_loop3A_120 : i32 to vector<16xi32>
          %parallel_loop3A_122 = tpu.vector_load_idx %arg7[%add3A_117, %parallel_loop3A_121] : memref<800x32xf32, #tpu.memory_space<vmem>>[vector<16xi32>, vector<16xi32>], vector<16xf32>,
          %parallel_loop3A_123 = arith.index_cast %scan3A_112 : i32 to index
          %parallel_loop3A_124 = arith.index_cast %parallel_loop3A_120 : i32 to index
          %parallel_loop3A_125 = arith.constant 0 : index
          %parallel_loop3A_126 = tpu.vector_load %arg9[%parallel_loop3A_123, %parallel_loop3A_124, %parallel_loop3A_125] {strides = array<i32>} : memref<50x32x16xf32, #tpu.memory_space<vmem>>, vector<16xf32>,
          tpu.vector_store %arg9[%parallel_loop3A_123, %parallel_loop3A_124, %parallel_loop3A_125], %parallel_loop3A_122 {strides = array<i32>} : memref<50x32x16xf32, #tpu.memory_space<vmem>>, vector<16xf32>,
        } {sc.loop_unroll_factor = 8 : i64, sc.parallel_access}
      }
      %scan3A_98 = arith.constant 50 : i32
      %mul3A_99 = arith.constant 32 : i32
      %mul3A_100 = arith.muli %add3A, %mul3A_99 : i32
      %mul3A_101 = arith.constant 16 : i32
      %mul3A_102 = arith.muli %mul3A_100, %mul3A_101 : i32
      %mul3A_103 = arith.constant 16 : i32
      %mul3A_104 = arith.muli %add3A_75, %mul3A_103 : i32
      %add3A_105 = arith.addi %mul3A_102, %mul3A_104 : i32
      %dma_start3A_106 = arith.constant 0 : i32
      %dma_start3A_107 = arith.constant 0 : i32
      %dma_start3A_108 = tpu.memref_slice %arg4[%dma_start3A_106, %dma_start3A_107, %add3A_105] : memref<50x32x16384xf32, #tpu.memory_space<hbm>> -> memref<50x32x16xf32, #tpu.memory_space<hbm>>
      %dma_start3A_109 = arith.constant 0 : i32
      %dma_start3A_110 = arith.constant 0 : i32
      %dma_start3A_111 = tpu.memref_slice %arg4[%dma_start3A_109, %dma_start3A_110, %add3A_105] : memref<50x32x16384xf32, #tpu.memory_space<hbm>> -> memref<50x32x16xf32, #tpu.memory_space<hbm>>
      tpu.enqueue_dma source(%arg9 : memref<50x32x16xf32, #tpu.memory_space<vmem>>) target(%dma_start3A_111 : memref<50x32x16xf32, #tpu.memory_space<hbm>>) target_semaphore(%arg13 : memref<!tpu.dma_semaphore, #tpu.memory_space<semaphore_mem>>)
    }
    %scan3A_11 = arith.constant 16 : i32
    %mul3A_12 = arith.constant 32 : i32
    %mul3A_13 = arith.muli %add3A, %mul3A_12 : i32
    %mul3A_14 = arith.constant 16 : i32
    %mul3A_15 = arith.muli %mul3A_13, %mul3A_14 : i32
    %add3A_16 = arith.constant 480 : i32
    %add3A_17 = arith.addi %mul3A_15, %add3A_16 : i32
    %dma_wait3A = arith.constant 0 : i32
    %dma_wait3A_18 = arith.constant 0 : i32
    %dma_wait3A_19 = tpu.memref_slice %arg4[%dma_wait3A, %dma_wait3A_18, %add3A_17] : memref<50x32x16384xf32, #tpu.memory_space<hbm>> -> memref<50x32x16xf32, #tpu.memory_space<hbm>>
    %dma_wait3A_20 = arith.constant 0 : i32
    %dma_wait3A_21 = arith.constant 0 : i32
    %dma_wait3A_22 = tpu.memref_slice %arg4[%dma_wait3A_20, %dma_wait3A_21, %add3A_17] : memref<50x32x16384xf32, #tpu.memory_space<hbm>> -> memref<50x32x16xf32, #tpu.memory_space<hbm>>
    tpu.wait_dma2 semaphore(%arg12 : memref<!tpu.dma_semaphore, #tpu.memory_space<semaphore_mem>>) src(%arg8 : memref<50x32x16xf32, #tpu.memory_space<vmem>>) dst(%dma_wait3A_22 : memref<50x32x16xf32, #tpu.memory_space<hbm>>)
    %mul3A_23 = arith.constant 32 : i32
    %mul3A_24 = arith.muli %add3A, %mul3A_23 : i32
    %mul3A_25 = arith.constant 16 : i32
    %mul3A_26 = arith.muli %mul3A_24, %mul3A_25 : i32
    %add3A_27 = arith.constant 496 : i32
    %add3A_28 = arith.addi %mul3A_26, %add3A_27 : i32
    %dma_wait3A_29 = arith.constant 0 : i32
    %dma_wait3A_30 = arith.constant 0 : i32
    %dma_wait3A_31 = tpu.memref_slice %arg4[%dma_wait3A_29, %dma_wait3A_30, %add3A_28] : memref<50x32x16384xf32, #tpu.memory_space<hbm>> -> memref<50x32x16xf32, #tpu.memory_space<hbm>>
    %dma_wait3A_32 = arith.constant 0 : i32
    %dma_wait3A_33 = arith.constant 0 : i32
    %dma_wait3A_34 = tpu.memref_slice %arg4[%dma_wait3A_32, %dma_wait3A_33, %add3A_28] : memref<50x32x16384xf32, #tpu.memory_space<hbm>> -> memref<50x32x16xf32, #tpu.memory_space<hbm>>
    tpu.wait_dma2 semaphore(%arg13 : memref<!tpu.dma_semaphore, #tpu.memory_space<semaphore_mem>>) src(%arg9 : memref<50x32x16xf32, #tpu.memory_space<vmem>>) dst(%dma_wait3A_34 : memref<50x32x16xf32, #tpu.memory_space<hbm>>)
    return
  }
}

</mosaic_0001>

<sc_bundles>
// kernel: _sc_embed.3.cloned.1.call-start
scs
__scs_entry_jumppad:
0x0: {  	(pc) =	sbr.rel $0x88, $3  }
0x1: {  	(tag) =	ssettag $0x0;
	lr =	simm.s32 $0x1  }
0x2: {  	[smem:$0x3F9F] =	sst lr;
	_ =	strace $0xD0000000  }
0x3: {  	_ = 	snop  }
0x4: {  	_ = 	snop  }
0x5: {  	_ = 	snop  }
0x6: {  	_ = 	snop  }
0x7: {  	_ = 	snop  }
__scs_overlays_trampoline_lowered:
0x8: {  	[smem:$0x3FAE] =	sst s0  }
0x9: {  	[smem:$0x3FAF] =	sst s1  }
0xa: {  	[smem:$0x3FB0] =	sst s2  }
0xb: {  	[smem:$0x3FB1] =	sst s3  }
0xc: {  	[smem:$0x3FB2] =	sst s4  }
0xd: {  	[smem:$0x3FB3] =	sst s5  }
0xe: {  	[smem:$0x3FB4] =	sst s6  }
0xf: {  	[smem:$0x3FB5] =	sst s7  }
0x10: {  	[smem:$0x3FB6] =	sst s8  }
0x11: {  	[smem:$0x3FB7] =	sst s9;
	s0 =	simm.s32 @!p0 $0x0  }
0x12: {  	s1 =	sld [smem:$0x3F9D];
	s0 =	simm.s32 @p0 $0x1  }
0x13: {  	[smem:$0x3FB8] =	sst s0;
	s0 =	simm.s32 @!p1 $0x0  }
0x14: {  	s2 =	sld [smem:$0x3F9C];
	s0 =	simm.s32 @p1 $0x1  }
0x15: {  	[smem:$0x3FB9] =	sst s0;
	s0 =	simm.s32 @!p2 $0x0  }
0x16: {  	s3 =	sld [smem:$0x3FDB];
	s0 =	simm.s32 @p2 $0x1  }
0x17: {  	s4 =	simm.s32 $0x1BF5;
	[smem:$0x3FBB] =	sst s0  }
0x18: {  	s0 =	sld [smem:$0x3F9E];
	_ =	swait.ge [sflag:s4], $0x0  }
0x19: {  	s7 =	sld [smem:$0x3F9F]  }
0x1a: {  	s8 =	sadd.s32 $0xFFFFE003, lr  }
0x1b: {  	s9 =	sadd.s32 $0xFFFFFEF7, lr;
	s5 =	simm.s32 $0xFFFFFFFF;
	p2 =	slt.u32 s8, $0xFFFFF086  }
0x1c: {  	p1 =	slt.u32 s9, $0xF7A;
	s5 =	simm.s32 @!p2 $0x0  }
0x1d: {  	s5 =	simm.s32 @p1 $0x1;
	p0 =	seq.s32 s7, s2  }
0x1e: {  	s7 =	smul.u32 @!p0 $0xF7A, s2;
	p2 =	seq.s32 @!p0 s5, $0x0  }
0x1f: {  	s9 =	smul.u32 $0xF7A, s1;
	s8 =	simm.s32 @!p0 $0x1BF5;
	p2 =	por !p2, p0  }
0x20: {  	[sflag:s8] =	ssyncset.s32 @!p0 $0xFFFFF086;
	s6 =	sadd.s32 @!p0 s3, s7;
	s7 =	simm.s32 @!p0 $0x108  }
0x21: {  	s3 =	sadd.s32 s3, s9;
	s6 =	sadd.s32 @!p0 $0x88, s6;
	s7 =	simm.s32 @p2 $0x1082  }
0x22: {  	[simem:s7], [sflag:s8] =	dma.local @!p0 [hbm:s6], $0xF7A  }
0x23: {  	s9 =	sor.u32 $0xD0000000, s2;
	s6 =	simm.s32 $0x108;
	_ =	swait.ge @!p0 [sflag:s8], $0x0  }
0x24: {  	s3 =	sadd.s32 $0x88, s3;
	s6 =	simm.s32 @!p1 $0x1082;
	[sflag:s4] =	ssyncset.s32 $0xFFFFF086  }
0x25: {  	[simem:s6], [sflag:s4] =	dma.local [hbm:s3], $0xF7A  }
0x26: {  	[smem:$0x3F9F] =	sst s1;
	(tag) =	ssettag s2;
	_ =	strace s9  }
0x27: {  	s1 =	sld [smem:$0x3FAF]  }
0x28: {  	s2 =	sld [smem:$0x3FB0]  }
0x29: {  	s4 =	sld [smem:$0x3FB2]  }
0x2a: {  	p0 =	seq.s32 s5, $0x0;
	s5 =	sld [smem:$0x3FB3]  }
0x2b: {  	s6 =	sld [smem:$0x3FB4]  }
0x2c: {  	s7 =	sld [smem:$0x3FB5]  }
0x2d: {  	s3 =	simm.s32 $0x108;
	s8 =	sld [smem:$0x3FB6]  }
0x2e: {  	s3 =	simm.s32 @!p0 $0x1082;
	s9 =	sld [smem:$0x3FB7]  }
0x2f: {  	lr =	sadd.s32 s0, s3;
	s0 =	sld [smem:$0x3FAE]  }
0x30: {  	s3 =	sld [smem:$0x3FB1]  }
0x31: {  	[smem:$0x3FBA] =	sst s10  }
0x32: {  	s10 =	sld [smem:$0x3FB8];
	_ =	sdelay $0x3  }
0x33: {  	p0 =	seq.s32 s10, $0x1;
	s10 =	sld [smem:$0x3FBA];
	_ =	sdelay $0x3  }
0x34: {  	[smem:$0x3FBA] =	sst s10  }
0x35: {  	s10 =	sld [smem:$0x3FB9];
	_ =	sdelay $0x3  }
0x36: {  	p1 =	seq.s32 s10, $0x1;
	s10 =	sld [smem:$0x3FBA];
	_ =	sdelay $0x3  }
0x37: {  	[smem:$0x3FBA] =	sst s10  }
0x38: {  	s10 =	sld [smem:$0x3FBB]  }
0x39: {  	_ = 	snop;
	(pc) =	sbr.ind lr, $3  }
0x3a: {  	_ = 	snop  }
0x3b: {  	_ = 	snop  }
0x3c: {  	p2 =	seq.s32 s10, $0x1;
	s10 =	sld [smem:$0x3FBA]  }
0x3d: {  	_ =	shalt  }
0x3e: {  	_ =	shalt  }
0x3f: {  	_ =	shalt  }
0x40: {  	_ =	shalt  }
0x41: {  	_ =	shalt  }
0x42: {  	_ =	shalt  }
0x43: {  	_ =	shalt  }
0x44: {  	_ =	shalt  }
0x45: {  	_ =	shalt  }
0x46: {  	_ =	shalt  }
0x47: {  	_ =	shalt  }
0x48: {  	_ =	shalt  }
0x49: {  	_ =	shalt  }
0x4a: {  	_ =	shalt  }
0x4b: {  	_ =	shalt  }
0x4c: {  	_ =	shalt  }
0x4d: {  	_ =	shalt  }
0x4e: {  	_ =	shalt  }
0x4f: {  	_ =	shalt  }
0x50: {  	_ =	shalt  }
0x51: {  	_ =	shalt  }
0x52: {  	_ =	shalt  }
0x53: {  	_ =	shalt  }
0x54: {  	_ =	shalt  }
0x55: {  	_ =	shalt  }
0x56: {  	_ =	shalt  }
0x57: {  	_ =	shalt  }
0x58: {  	_ =	shalt  }
0x59: {  	_ =	shalt  }
0x5a: {  	_ =	shalt  }
0x5b: {  	_ =	shalt  }
0x5c: {  	_ =	shalt  }
0x5d: {  	_ =	shalt  }
0x5e: {  	_ =	shalt  }
0x5f: {  	_ =	shalt  }
0x60: {  	_ =	shalt  }
0x61: {  	_ =	shalt  }
0x62: {  	_ =	shalt  }
0x63: {  	_ =	shalt  }
0x64: {  	_ =	shalt  }
0x65: {  	_ =	shalt  }
0x66: {  	_ =	shalt  }
0x67: {  	_ =	shalt  }
0x68: {  	_ =	shalt  }
0x69: {  	_ =	shalt  }
0x6a: {  	_ =	shalt  }
0x6b: {  	_ =	shalt  }
0x6c: {  	_ =	shalt  }
0x6d: {  	_ =	shalt  }
0x6e: {  	_ =	shalt  }
0x6f: {  	_ =	shalt  }
0x70: {  	_ =	shalt  }
0x71: {  	_ =	shalt  }
0x72: {  	_ =	shalt  }
0x73: {  	_ =	shalt  }
0x74: {  	_ =	shalt  }
0x75: {  	_ =	shalt  }
0x76: {  	_ =	shalt  }
0x77: {  	_ =	shalt  }
0x78: {  	_ =	shalt  }
0x79: {  	_ =	shalt  }
0x7a: {  	_ =	shalt  }
0x7b: {  	_ =	shalt  }
0x7c: {  	_ =	shalt  }
0x7d: {  	_ =	shalt  }
0x7e: {  	_ =	shalt  }
0x7f: {  	_ =	shalt  }
0x80: {  	_ =	shalt  }
0x81: {  	_ =	shalt  }
0x82: {  	_ =	shalt  }
0x83: {  	_ =	shalt  }
0x84: {  	_ =	shalt  }
0x85: {  	_ =	shalt  }
0x86: {  	_ =	shalt  }
0x87: {  	_ =	shalt  }
.Lfunc_end0:
.L_simem_size_0:
called_computation_lowered:
.L_overlay_start_0:
0x88: {  	s2 =	sld [smem:$0x3FD9]  }
0x89: {  	s3 =	sld [smem:$0x3FFE];
	_ =	sdelay $0x1  }
0x8a: {  	s1 =	srdreg.scid  }
0x8b: {  	s0 =	sand.u32 $0x1, s1  }
0x8c: {  	s17 =	sshll.u32 s0, $0xA;
	s2 =	sadd.s32 s3, s2  }
0x8d: {  	s2 =	sadd.s32 s2, s17  }
0x8e: {  	[smem:$0x3FC6] =	sst s2  }
0x8f: {  	_ = 	snop  }
0x90: {  	s2 =	sld [smem:$0x3FC9];
	(tm) =	ssettm $0x1  }
0x91: {  	s18 =	sld [smem:$0x3FFB];
	_ =	sdelay $0x3  }
0x92: {  	_ =	strace s18  }
0x93: {  	s3 =	sld [smem:$0x3FFC];
	_ =	sdelay $0x3  }
0x94: {  	_ =	strace s3  }
0x95: {  	s3 =	sld [smem:$0x3FFD];
	_ =	sdelay $0x3  }
0x96: {  	_ =	strace s3  }
0x97: {  	_ =	strace $0x8FFFFFFF  }
0x98: {  	s19 =	sld [smem:$0x3FDB];
	_ =	sdelay $0x1  }
0x99: {  	s4 =	simm.s32 $_scs_section_size  }
0x9a: {  	s5 =	simm.s32 $_size__tile_overlayer_lowered;
	s6 =	simm.s32 $_tile_overlayer_lowered  }
0x9b: {  	s22 =	simm.s32 $0x1BFF;
	s21 =	sshll.u32 s6, $0x1;
	s3 =	sadd.s32 s4, s19  }
0x9c: {  	s7 =	simm.s32 $0x0;
	s20 =	sshll.u32 s5, $0x1;
	s5 =	sadd.s32 s21, s3  }
0x9d: {  	[timem:s7], [sflag:s22] =	dma.local [hbm:s5], s20  }
0x9e: {  	_ =	swait.ge [sflag:s22], s20  }
0x9f: {  	s4 =	ssub.s32 $0x0, s20;
	[sflag:s22] =	ssyncset.done $0x0  }
0xa0: {  	[sflag:s22] =	ssyncadd.s32 s4;
	_ =	sdelay $0x1  }
0xa1: {  	s23 =	simm.s32 $0x1B8B  }
0xa2: {  	_ =	swait.ge [sflag:s23], $0x1  }
0xa3: {  	[sflag:s23] =	ssyncset.done $0x0  }
0xa4: {  	s25 =	simm.s32 $0x1B8E;
	s24 =	sld [smem:$0x3FFE];
	[sflag:s23] =	ssyncadd.s32 $0xFFFFFFFF  }
0xa5: {  	s26 =	simm.s32 $execute0_lowered;
	[smem:$0x3FD2] =	sst s25  }
0xa6: {  	s5 =	sshll.u32 s26, $0x1;
	_ =	strace $0x80000046;
	[dreg:$0x1] =	wrdreg $0xFFFFFFFF  }
0xa7: {  	s28 =	simm.s32 $_size_execute0_lowered;
	s3 =	sadd.s32 s3, s5;
	[dreg:$0x0] =	wrdreg $0x0  }
0xa8: {  	s5 =	sshll.u32 s28, $0x1;
	[dreg:$0x2] =	wrdreg s3  }
0xa9: {  	[dreg:$0x3] =	wrdreg s5  }
0xaa: {  	[dreg:$0x4] =	wrdreg $0xC0  }
0xab: {  	_ =	task [dreg:s7], $0x5FFFF  }
0xac: {  	[dreg:$0x1] =	wrdreg $0xFFFFFFFF  }
0xad: {  	[dreg:$0x0] =	wrdreg $0x60  }
0xae: {  	[dreg:$0x2] =	wrdreg s2  }
0xaf: {  	[dreg:$0x3] =	wrdreg s24  }
0xb0: {  	[dreg:$0x4] =	wrdreg $0x9  }
0xb1: {  	_ =	task.clear_ibuf [dreg:s7], $0x5FFFF;
	_ =	strace $0x90000046  }
0xb2: {  	s29 =	simm.s32 $0x9;
	_ =	strace $0x80000048  }
0xb3: {  	_ =	swait.ge [sflag:s29], $0x1  }
0xb4: {  	[sflag:s29] =	ssyncadd.s32 $0xFFFFFFFF  }
0xb5: {  	_ =	strace $0x90000048  }
0xb6: {  	_ =	sfence  }
0xb7: {  	s30 =	sld [smem:$0x0];
	_ =	sdelay $0x2  }
0xb8: {  	s31 =	sshll.u32 s1, $0xD;
	s1 =	sshrl.u32 s1, $0x2  }
0xb9: {  	s3 =	sand.u32 $0x4000, s31;
	s1 =	sadd.s32 s1, s30  }
0xba: {  	s0 =	sor.u32 s3, s0;
	s1 =	sshll.u32 s1, $0x11  }
0xbb: {  	s0 =	sor.u32 s1, s0  }
0xbc: {  	s0 =	sadd.s32 $0x8F2B, s0  }
0xbd: {  	[sflag:s0] =	ssyncadd.remote.s32 $0x1  }
0xbe: {  	_ =	sfence.sel $0xFFFF  }
0xbf: {  	[dreg:$0x0] =	wrdreg $0xFFFFFFFF;
	(pc) =	sbr.abs _section_cstart, $3  }
0xc0: {  	[dreg:$0x1] =	wrdreg $0xFFFFFFFF  }
0xc1: {  	_ =	task.clear_ibuf [dreg:s7], $0x2FFFF;
	_ =	strace $0x9FFFFFFF  }
0xc2: {  	(tm) =	ssettm $0x7FFFFFFF  }
0xc3: {  	_ =	shalt  }
tec
execute0_lowered:
.L_overlay_start_1:
0x0: {  	(tag) =	ssettag $0x1  }
0x1: {  	s5 =	rddreg [dreg:$0x0];
	s1 =	srdreg.scid  }
0x2: {  	s0 =	stileid.u32;
	s4 =	rddreg [dreg:$0x1];
	s2 =	simm.s32 $0x0  }
0x3: {  	s10 =	simm.s32 $0x6400;
	s11 =	simm.s32 $0x1;
	s12 =	simm.s32 $0xC800  }
0x4: {  	s13 =	simm.s32 $0x10;
	s14 =	simm.s32 $0x4000;
	s15 =	simm.s32 $0x12C00  }
0x5: {  	s16 =	simm.s32 $0x2;
	s17 =	simm.s32 $0x19000;
	s18 =	simm.s32 $0x3  }
0x6: {  	s19 =	simm.s32 $0x4;
	s3 =	sand.u32 $0x1, s1;
	s6 =	sshll.u32 s0, $0x1  }
0x7: {  	s20 =	simm.s32 $0x0;
	[smem:$0x7FF] =	sst s2;
	s6 =	sor.u32 s3, s6  }
0x8: {  	s7 =	ssub.s32 $0x2, s3;
	_ =	strace $0x80000047;
	s3 =	sadd.s32 $0xF42800, s4  }
0x9: {  	s4 =	sadd.s32 $0x400, s4;
	s8 =	smul.u32 $0xC80, s6;
	s9 =	sshrl.u32 s7, $0x1  }
0xa: {  	v0 =	vlaneseq.u32;
	v1 =	vimm.s32 $0x0;
	vm0 =	vcmask $0x300;
	s6 =	sshll.u32 s6, $0x9;
	s7 =	ssub.s32 s7, s9;
	s9 =	simm.s32 $0x320  }
0xb: {  	v0 =	vmul.u32 $0x640, v0;
	v1 =	vsel vm0, $0x3, v1;
	s5 =	sadd.s32 s5, s8;
	s7 =	smax.u32 s7, $0x1;
	s8 =	simm.s32 $0x5  }
.LBB2_1:
0xc: {  	[tilespmem:s2], [sflag:$0x5] =	stream.linear.gather [hbm4b:s5+s2], $0x6400, $0x38;
	[tilespmem:$0x1F400] =	vst v63  }
0xd: {  	_ =	swait.ge [sflag:s8], $0x6400  }
0xe: {  	[sflag:s8] =	ssyncset.done $0x0  }
0xf: {  	s21 =	simm.s32 $0x0;
	[sflag:s8] =	ssyncadd.s32 $0xFFFF9C00  }
0x10: {  	[tilespmem:s10], [sflag:$0x1] =	stream.indirect.gather [hbm4b:s3+s9], $0x20, s2, s9, $0xb8;
	[tilespmem:$0x1F400] =	vst v63  }
.LBB2_2:
0x11: {  	s22 =	sshllo.u32 s21, $0x1  }
0x12: {  	_ =	swait.ge [sflag:s11], $0x6400;
	s23 =	smul.u32 $0xC80, s22  }
0x13: {  	[sflag:s11] =	ssyncset.done $0x0  }
0x14: {  	p0 =	seq.s32 s21, $0x0;
	[sflag:s11] =	ssyncadd.s32 $0xFFFF9C00;
	s23 =	sshra.s32 s23, $0x2  }
0x15: {  	[tilespmem:s12], [sflag:$0x2] =	stream.indirect.gather [hbm4b:s3+s9], $0x20, s23, s9, $0xb8;
	[tilespmem:$0x1F400] =	vst v63  }
0x16: {  	s23 =	simm.s32 @!p0 $0x3  }
0x17: {  	_ =	swait.ge @!p0 [sflag:s23], $0x6400  }
0x18: {  	s24 =	simm.s32 $0x12C40;
	[sflag:s23] =	ssyncset.done @!p0 $0x0  }
0x19: {  	s25 =	simm.s32 $0x0;
	[sflag:s23] =	ssyncadd.s32 @!p0 $0xFFFF9C00;
	s23 =	simm.s32 $0x0  }
.LBB2_3:
0x1a: {  	v2 =	vmov s25;
	s26 =	simm.s32 $0x1;
	s28 =	simm.s32 $0x2;
	v10 =	vmov s23  }
0x1b: {  	s30 =	simm.s32 $0x4;
	s31 =	simm.s32 $0x6;
	s0 =	simm.s32 $0x3;
	v2 =	vshll.u32 v2, $0x5;
	v3 =	vmov s26;
	v4 =	vmov s28  }
0x1c: {  	s1 =	simm.s32 $0x7;
	v5 =	vmov s30;
	v7 =	vmov s31;
	v8 =	vmov s0  }
0x1d: {  	s28 =	simm.s32 $0x5;
	v9 =	vmov s1;
	v10 =	vshrl.u32 v10, $0x3;
	v2 =	vadd.s32 v0, v2  }
0x1e: {  	v6 =	vmov s28;
	v3 =	vshrl.u32 v3, $0x3;
	v4 =	vshrl.u32 v4, $0x3  }
0x1f: {  	s30 =	simm.s32 $0x9;
	s31 =	simm.s32 $0xC;
	v5 =	vshrl.u32 v5, $0x3;
	v7 =	vshrl.u32 v7, $0x3;
	v8 =	vshrl.u32 v8, $0x3  }
0x20: {  	s0 =	simm.s32 $0xE;
	v9 =	vor.u32 $0x7, v9;
	v11 =	vmov s30;
	v13 =	vmov s31  }
0x21: {  	v10 =	vshll.u32 v10, v1;
	v15 =	vmov s0;
	v6 =	vshrl.u32 v6, $0x3  }
0x22: {  	v3 =	vshll.u32 v3, v1;
	v4 =	vshll.u32 v4, v1;
	v5 =	vshll.u32 v5, v1  }
0x23: {  	v7 =	vshll.u32 v7, v1;
	v6 =	vshll.u32 v6, v1;
	v4 =	vor.u32 $0x2, v4  }
0x24: {  	v8 =	vshll.u32 v8, v1;
	v4 =	vbroadcast v4, $0x0;
	v6 =	vor.u32 $0x5, v6  }
0x25: {  	v9 =	vbroadcast v9, $0x0;
	v7 =	vor.u32 $0x6, v7;
	v6 =	vbroadcast v6, $0x0  }
0x26: {  	v3 =	vor.u32 $0x1, v3;
	v7 =	vbroadcast v7, $0x0;
	v4 =	vor.u32 v2, v4  }
0x27: {  	s28 =	simm.s32 $0xA;
	v8 =	vor.u32 $0x3, v8;
	v3 =	vbroadcast v3, $0x0;
	v6 =	vor.u32 v2, v6  }
0x28: {  	v12 =	vmov s28;
	v8 =	vbroadcast v8, $0x0;
	v7 =	vor.u32 v2, v7  }
0x29: {  	v11 =	vshrl.u32 v11, $0x3;
	v5 =	vor.u32 $0x4, v5;
	v3 =	vor.u32 v2, v3  }
0x2a: {  	v10 =	vbroadcast v10, $0x0;
	v5 =	vbroadcast v5, $0x0;
	v8 =	vor.u32 v2, v8  }
0x2b: {  	s30 =	simm.s32 $0xF;
	v13 =	vshrl.u32 v13, $0x3;
	v15 =	vshrl.u32 v15, $0x3;
	v9 =	vor.u32 v2, v9;
	v4 =	vld.idx.msk [tilespmem:v4+s10+$0x0], $0xffff  }
0x2c: {  	s28 =	simm.s32 $0xD;
	v63 =	vmov s30;
	v12 =	vshrl.u32 v12, $0x3;
	v5 =	vor.u32 v2, v5;
	v6 =	vld.idx.msk [tilespmem:v6+s10+$0x0], $0xffff  }
0x2d: {  	v14 =	vmov s28;
	v11 =	vshll.u32 v11, v1;
	v12 =	vshll.u32 v12, v1;
	v7 =	vld.idx.msk [tilespmem:v7+s10+$0x0], $0xffff  }
0x2e: {  	v14 =	vshrl.u32 v14, $0x3;
	v10 =	vor.u32 v2, v10;
	v12 =	vor.u32 $0x2, v12;
	v3 =	vld.idx.msk [tilespmem:v3+s10+$0x0], $0xffff  }
0x2f: {  	v11 =	vor.u32 $0x1, v11;
	v14 =	vshll.u32 v14, v1;
	v12 =	vbroadcast v12, $0x0;
	v8 =	vld.idx.msk [tilespmem:v8+s10+$0x0], $0xffff  }
0x30: {  	s1 =	simm.s32 $0xB;
	v16 =	vbroadcast v11, $0x0;
	v11 =	vshll.u32 v15, v1;
	v62 =	vld.idx.msk [tilespmem:v9+s10+$0x0], $0xffff;
	[tilespmem:s24+$0xFFFFFFE0] =	vst v4;
	v4 =	vor.u32 $0x5, v14  }
0x31: {  	v12 =	vor.u32 v2, v12;
	v5 =	vld.idx.msk [tilespmem:v5+s10+$0x0], $0xffff;
	[tilespmem:s24+$0x10] =	vst v6;
	v6 =	vmov s1;
	v4 =	vbroadcast v4, $0x0  }
0x32: {  	v13 =	vshll.u32 v13, v1;
	v9 =	vor.u32 $0x6, v11;
	[tilespmem:s24+$0x20] =	vst v7;
	v6 =	vshrl.u32 v6, $0x3  }
0x33: {  	v7 =	vbroadcast v9, $0x0;
	[tilespmem:s24+$0xFFFFFFD0] =	vst v3;
	v3 =	vshll.u32 v6, v1;
	v6 =	vor.u32 v2, v4;
	v4 =	vld.idx.msk [tilespmem:v10+s10+$0x0], $0xffff  }
0x34: {  	v11 =	vor.u32 $0x4, v13;
	[tilespmem:s24+$0xFFFFFFF0] =	vst v8;
	v10 =	vor.u32 $0x7, v63;
	v8 =	vor.u32 $0x3, v3  }
0x35: {  	s31 =	simm.s32 $0x8;
	[tilespmem:s24+$0x30] =	vst v62;
	v3 =	vor.u32 v2, v7;
	v9 =	vbroadcast v8, $0x0;
	v8 =	vbroadcast v11, $0x0  }
0x36: {  	s29 =	smov.u32 s24;
	s26 =	sadd.s32 $0x80, s24;
	s28 =	simm.s32 $0x10;
	[tilespmem:s24+$0x0] =	vst v5;
	v5 =	vld.idx.msk [tilespmem:v12+s10+$0x0], $0xffff;
	v7 =	vor.u32 v2, v16;
	v10 =	vbroadcast v10, $0x0;
	v11 =	vmov s31  }
.LBB2_4:
0x37: {  	s30 =	sadd.s32 $0x1, s28;
	s31 =	sadd.s32 $0x2, s28;
	s1 =	sadd.s32 $0x3, s28;
	v11 =	vshrl.u32 v11, $0x3;
	v9 =	vor.u32 v2, v9;
	v8 =	vor.u32 v2, v8  }
0x38: {  	s0 =	sadd.s32 $0x6, s28;
	v12 =	vmov s30;
	v13 =	vmov s31;
	s30 =	sadd.s32 $0x4, s28;
	s31 =	sadd.s32 $0x5, s28;
	v10 =	vor.u32 v2, v10;
	[tilespmem:s29+$0xFFFFFFC0] =	vst v4  }
0x39: {  	p0 =	slt.u32 s28, $0x18;
	v11 =	vshll.u32 v11, v1;
	v4 =	vmov s30;
	v14 =	vmov s31;
	v6 =	vld.idx.msk [tilespmem:v6+s10+$0x0], $0xffff;
	s30 =	smov.u32 s28;
	s28 =	sadd.s32 $0x8, s28  }
0x3a: {  	s29 =	smov.u32 s26;
	v12 =	vshrl.u32 v12, $0x3;
	v11 =	vbroadcast v11, $0x0;
	v14 =	vshrl.u32 v14, $0x3;
	v3 =	vld.idx.msk [tilespmem:v3+s10+$0x0], $0xffff  }
0x3b: {  	v13 =	vshrl.u32 v13, $0x3;
	v12 =	vshll.u32 v12, v1;
	v14 =	vshll.u32 v14, v1;
	v7 =	vld.idx.msk [tilespmem:v7+s10+$0x0], $0xffff  }
0x3c: {  	v13 =	vshll.u32 v13, v1;
	v4 =	vshrl.u32 v4, $0x3;
	v11 =	vor.u32 v2, v11;
	[tilespmem:s26+$0xFFFFFFE0] =	vst v5;
	v5 =	vld.idx.msk [tilespmem:v9+s10+$0x0], $0xffff  }
0x3d: {  	v9 =	vor.u32 $0x1, v12;
	v12 =	vor.u32 $0x2, v13;
	v13 =	vmov s0;
	v8 =	vld.idx.msk [tilespmem:v8+s10+$0x0], $0xffff  }
0x3e: {  	v15 =	vshll.u32 v4, v1;
	v12 =	vbroadcast v12, $0x0;
	v4 =	vshrl.u32 v13, $0x3;
	v10 =	vld.idx.msk [tilespmem:v10+s10+$0x0], $0xffff  }
0x3f: {  	v13 =	vbroadcast v9, $0x0;
	v9 =	vor.u32 $0x5, v14;
	v4 =	vshll.u32 v4, v1;
	[tilespmem:s26+$0x10] =	vst v6  }
0x40: {  	v12 =	vor.u32 v2, v12;
	v6 =	vmov s1;
	v4 =	vor.u32 $0x6, v4;
	[tilespmem:s26+$0x20] =	vst v3  }
.Ltmp0:
0x41: {  	s0 =	sadd.s32 $0x7, s30;
	v3 =	vshrl.u32 v6, $0x3;
	v6 =	vbroadcast v9, $0x0;
	v9 =	vbroadcast v4, $0x0;
	v4 =	vld.idx.msk [tilespmem:v11+s10+$0x0], $0xffff;
	[tilespmem:s26+$0xFFFFFFD0] =	vst v7;
	(pc) =	sbr.rel @p0 .LBB2_4-.Ltmp0, $4  }
0x42: {  	v3 =	vshll.u32 v3, v1;
	v7 =	vor.u32 $0x4, v15;
	v11 =	vmov s0;
	[tilespmem:s26+$0xFFFFFFF0] =	vst v5  }
0x43: {  	v5 =	vor.u32 $0x3, v3;
	v6 =	vor.u32 v2, v6;
	v3 =	vor.u32 v2, v9;
	[tilespmem:s26+$0x0] =	vst v8  }
0x44: {  	v14 =	vor.u32 $0x7, v11;
	v9 =	vbroadcast v5, $0x0;
	v8 =	vbroadcast v7, $0x0;
	[tilespmem:s26+$0x30] =	vst v10  }
0x45: {  	v11 =	vmov s30;
	v7 =	vor.u32 v2, v13;
	v10 =	vbroadcast v14, $0x0;
	s26 =	sadd.s32 $0x80, s26;
	v5 =	vld.idx.msk [tilespmem:v12+s10+$0x0], $0xffff  }
0x46: {  	_ = 	snop  }
0x47: {  	v11 =	vshrl.u32 v11, $0x3  }
0x48: {  	v9 =	vor.u32 v2, v9;
	v11 =	vshll.u32 v11, v1  }
0x49: {  	v8 =	vor.u32 v2, v8;
	v11 =	vbroadcast v11, $0x0  }
0x4a: {  	v6 =	vld.idx.msk [tilespmem:v6+s10+$0x0], $0xffff;
	v10 =	vor.u32 v2, v10  }
0x4b: {  	v3 =	vld.idx.msk [tilespmem:v3+s10+$0x0], $0xffff;
	v2 =	vor.u32 v2, v11  }
0x4c: {  	v7 =	vld.idx.msk [tilespmem:v7+s10+$0x0], $0xffff  }
0x4d: {  	[tilespmem:s29+$0xFFFFFFC0] =	vst v4;
	v61 =	vld.idx.msk [tilespmem:v9+s10+$0x0], $0xffff  }
0x4e: {  	[tilespmem:s26+$0xFFFFFFE0] =	vst v5;
	v62 =	vld.idx.msk [tilespmem:v8+s10+$0x0], $0xffff  }
0x4f: {  	s25 =	sadd.s32 $0x1, s25;
	[tilespmem:s26+$0x10] =	vst v6;
	v63 =	vld.idx.msk [tilespmem:v10+s10+$0x0], $0xffff  }
0x50: {  	p0 =	sne.s32 s25, $0x32;
	[tilespmem:s26+$0x20] =	vst v3;
	v2 =	vld.idx.msk [tilespmem:v2+s10+$0x0], $0xffff  }
.Ltmp1:
0x51: {  	[tilespmem:s26+$0xFFFFFFD0] =	vst v7;
	(pc) =	sbr.rel @p0 .LBB2_3-.Ltmp1, $4  }
0x52: {  	[tilespmem:s26+$0xFFFFFFF0] =	vst v61  }
0x53: {  	[tilespmem:s26+$0x0] =	vst v62  }
0x54: {  	[tilespmem:s26+$0x30] =	vst v63  }
0x55: {  	s24 =	sadd.s32 $0x200, s24;
	[tilespmem:s26+$0xFFFFFFC0] =	vst v2  }
0x56: {  	s0 =	sshll.u32 s21, $0x5  }
0x57: {  	s0 =	sadd.s32 s6, s0  }
0x58: {  	s0 =	sshrl.u32 s0, $0x3  }
0x59: {  	p0 =	seq.s32 s21, $0xF;
	s0 =	sadd.s32 s4, s0  }
0x5a: {  	[hbm4b:s0+s13] =	stream.strided.scatter [tilespmem:s15], [sflag:$0x3], $0x6400, s14, s13, $0x38;
	[tilespmem:$0x1F400] =	vst v63  }
0x5b: {  	s0 =	smul.u32 @!p0 $0x1900, s21  }
0x5c: {  	p1 =	seq.s32 @!p0 s21, $0x0;
	_ =	swait.ge [sflag:s16], $0x6400  }
0x5d: {  	s1 =	simm.s32 @!p0 $0x320;
	[sflag:s16] =	ssyncset.done $0x0;
	s0 =	sshra.s32 @!p0 s0, $0x2  }
0x5e: {  	s23 =	simm.s32 @!p0 $0x6400;
	[sflag:s16] =	ssyncadd.s32 $0xFFFF9C00;
	s0 =	sadd.s32 @!p0 $0x640, s0  }
0x5f: {  	[tilespmem:s23], [sflag:$0x1] =	stream.indirect.gather @!p0 [hbm4b:s3+s1], $0x20, s0, s1, $0xb8;
	[tilespmem:$0x1F400] =	vst v63  }
0x60: {  	p0 =	por p0, !p1  }
0x61: {  	_ =	swait.ge @p0 [sflag:s19], $0x6400  }
0x62: {  	s24 =	simm.s32 $0x19040;
	[sflag:s19] =	ssyncset.done @p0 $0x0  }
0x63: {  	s25 =	simm.s32 $0x0;
	s23 =	simm.s32 $0x0;
	[sflag:s19] =	ssyncadd.s32 @p0 $0xFFFF9C00  }
.LBB2_7:
0x64: {  	v2 =	vmov s25;
	s0 =	simm.s32 $0x1;
	s1 =	simm.s32 $0x2;
	v10 =	vmov s23  }
0x65: {  	s30 =	simm.s32 $0x4;
	s31 =	simm.s32 $0x5;
	s26 =	simm.s32 $0x6;
	v2 =	vshll.u32 v2, $0x5;
	v3 =	vmov s0;
	v4 =	vmov s1  }
0x66: {  	v5 =	vmov s30;
	v6 =	vmov s31;
	v7 =	vmov s26  }
0x67: {  	v10 =	vshrl.u32 v10, $0x3;
	v2 =	vadd.s32 v0, v2;
	v3 =	vshrl.u32 v3, $0x3  }
0x68: {  	s30 =	simm.s32 $0x3;
	s31 =	simm.s32 $0x7;
	v6 =	vshrl.u32 v6, $0x3;
	v4 =	vshrl.u32 v4, $0x3;
	v5 =	vshrl.u32 v5, $0x3  }
0x69: {  	s1 =	simm.s32 $0x9;
	s26 =	simm.s32 $0xA;
	v7 =	vshrl.u32 v7, $0x3;
	v8 =	vmov s30;
	v9 =	vmov s31  }
0x6a: {  	v11 =	vmov s1;
	v12 =	vmov s26;
	v10 =	vshll.u32 v10, v1  }
0x6b: {  	v3 =	vshll.u32 v3, v1;
	v6 =	vshll.u32 v6, v1;
	v4 =	vshll.u32 v4, v1  }
0x6c: {  	s30 =	simm.s32 $0xC;
	v5 =	vshll.u32 v5, v1;
	v7 =	vshll.u32 v7, v1;
	v8 =	vshrl.u32 v8, $0x3  }
0x6d: {  	s31 =	simm.s32 $0xD;
	v9 =	vor.u32 $0x7, v9;
	v13 =	vmov s30;
	v4 =	vor.u32 $0x2, v4  }
0x6e: {  	v14 =	vmov s31;
	v6 =	vor.u32 $0x5, v6;
	v4 =	vbroadcast v4, $0x0  }
0x6f: {  	v3 =	vor.u32 $0x1, v3;
	v7 =	vor.u32 $0x6, v7;
	v6 =	vbroadcast v6, $0x0  }
0x70: {  	v8 =	vshll.u32 v8, v1;
	v7 =	vbroadcast v7, $0x0;
	v4 =	vor.u32 v2, v4  }
0x71: {  	v3 =	vbroadcast v3, $0x0;
	v8 =	vor.u32 $0x3, v8;
	v6 =	vor.u32 v2, v6  }
0x72: {  	v11 =	vshrl.u32 v11, $0x3;
	v8 =	vbroadcast v8, $0x0;
	v7 =	vor.u32 v2, v7  }
0x73: {  	v5 =	vor.u32 $0x4, v5;
	v9 =	vbroadcast v9, $0x0;
	v3 =	vor.u32 v2, v3  }
0x74: {  	s1 =	simm.s32 $0xE;
	v10 =	vbroadcast v10, $0x0;
	v5 =	vbroadcast v5, $0x0;
	v8 =	vor.u32 v2, v8  }
0x75: {  	v12 =	vshrl.u32 v12, $0x3;
	v15 =	vmov s1;
	v9 =	vor.u32 v2, v9;
	v4 =	vld.idx.msk [tilespmem:v4+s12+$0x0], $0xffff  }
0x76: {  	v14 =	vshrl.u32 v14, $0x3;
	v12 =	vshll.u32 v12, v1;
	v5 =	vor.u32 v2, v5;
	v6 =	vld.idx.msk [tilespmem:v6+s12+$0x0], $0xffff  }
0x77: {  	v11 =	vshll.u32 v11, v1;
	v13 =	vshrl.u32 v13, $0x3;
	v12 =	vor.u32 $0x2, v12;
	v7 =	vld.idx.msk [tilespmem:v7+s12+$0x0], $0xffff  }
0x78: {  	v10 =	vor.u32 v2, v10;
	v11 =	vor.u32 $0x1, v11;
	v12 =	vbroadcast v12, $0x0;
	v3 =	vld.idx.msk [tilespmem:v3+s12+$0x0], $0xffff  }
0x79: {  	v15 =	vshrl.u32 v15, $0x3;
	v14 =	vshll.u32 v14, v1;
	v16 =	vbroadcast v11, $0x0;
	v8 =	vld.idx.msk [tilespmem:v8+s12+$0x0], $0xffff  }
0x7a: {  	s26 =	simm.s32 $0xB;
	v11 =	vshll.u32 v15, v1;
	v12 =	vor.u32 v2, v12;
	v62 =	vld.idx.msk [tilespmem:v9+s12+$0x0], $0xffff;
	[tilespmem:s24+$0xFFFFFFE0] =	vst v4;
	v4 =	vor.u32 $0x5, v14  }
0x7b: {  	v9 =	vor.u32 $0x6, v11;
	v5 =	vld.idx.msk [tilespmem:v5+s12+$0x0], $0xffff;
	[tilespmem:s24+$0x10] =	vst v6;
	v6 =	vmov s26;
	v4 =	vbroadcast v4, $0x0  }
0x7c: {  	s30 =	simm.s32 $0xF;
	v13 =	vshll.u32 v13, v1;
	[tilespmem:s24+$0x20] =	vst v7;
	v7 =	vbroadcast v9, $0x0;
	v6 =	vshrl.u32 v6, $0x3  }
0x7d: {  	v63 =	vmov s30;
	[tilespmem:s24+$0xFFFFFFD0] =	vst v3;
	v3 =	vshll.u32 v6, v1;
	v6 =	vor.u32 v2, v4;
	v4 =	vld.idx.msk [tilespmem:v10+s12+$0x0], $0xffff  }
0x7e: {  	v11 =	vor.u32 $0x4, v13;
	[tilespmem:s24+$0xFFFFFFF0] =	vst v8;
	v8 =	vor.u32 $0x3, v3;
	v3 =	vor.u32 v2, v7  }
0x7f: {  	s31 =	simm.s32 $0x8;
	[tilespmem:s24+$0x30] =	vst v62;
	v10 =	vor.u32 $0x7, v63;
	v9 =	vbroadcast v8, $0x0;
	v8 =	vbroadcast v11, $0x0  }
0x80: {  	s28 =	simm.s32 $0x10;
	s29 =	smov.u32 s24;
	[tilespmem:s24+$0x0] =	vst v5;
	v5 =	vld.idx.msk [tilespmem:v12+s12+$0x0], $0xffff;
	s26 =	sadd.s32 $0x80, s24;
	v7 =	vor.u32 v2, v16;
	v11 =	vmov s31;
	v10 =	vbroadcast v10, $0x0  }
.LBB2_8:
0x81: {  	s0 =	sadd.s32 $0x1, s28;
	s1 =	sadd.s32 $0x2, s28;
	s30 =	sadd.s32 $0x3, s28;
	v11 =	vshrl.u32 v11, $0x3;
	v9 =	vor.u32 v2, v9;
	v8 =	vor.u32 v2, v8  }
0x82: {  	s31 =	sadd.s32 $0x6, s28;
	v12 =	vmov s0;
	v13 =	vmov s1;
	s0 =	sadd.s32 $0x4, s28;
	s1 =	sadd.s32 $0x5, s28;
	v10 =	vor.u32 v2, v10;
	[tilespmem:s29+$0xFFFFFFC0] =	vst v4  }
0x83: {  	p0 =	slt.u32 s28, $0x18;
	v11 =	vshll.u32 v11, v1;
	v4 =	vmov s0;
	v14 =	vmov s1;
	v6 =	vld.idx.msk [tilespmem:v6+s12+$0x0], $0xffff;
	s0 =	smov.u32 s28;
	s28 =	sadd.s32 $0x8, s28  }
0x84: {  	s29 =	smov.u32 s26;
	v12 =	vshrl.u32 v12, $0x3;
	v11 =	vbroadcast v11, $0x0;
	v14 =	vshrl.u32 v14, $0x3;
	v3 =	vld.idx.msk [tilespmem:v3+s12+$0x0], $0xffff  }
0x85: {  	v13 =	vshrl.u32 v13, $0x3;
	v12 =	vshll.u32 v12, v1;
	v14 =	vshll.u32 v14, v1;
	v7 =	vld.idx.msk [tilespmem:v7+s12+$0x0], $0xffff  }
0x86: {  	v13 =	vshll.u32 v13, v1;
	v4 =	vshrl.u32 v4, $0x3;
	v11 =	vor.u32 v2, v11;
	[tilespmem:s26+$0xFFFFFFE0] =	vst v5;
	v5 =	vld.idx.msk [tilespmem:v9+s12+$0x0], $0xffff  }
0x87: {  	v9 =	vor.u32 $0x1, v12;
	v12 =	vor.u32 $0x2, v13;
	v13 =	vmov s31;
	v8 =	vld.idx.msk [tilespmem:v8+s12+$0x0], $0xffff  }
0x88: {  	v15 =	vshll.u32 v4, v1;
	v12 =	vbroadcast v12, $0x0;
	v4 =	vshrl.u32 v13, $0x3;
	v10 =	vld.idx.msk [tilespmem:v10+s12+$0x0], $0xffff  }
0x89: {  	v13 =	vbroadcast v9, $0x0;
	v9 =	vor.u32 $0x5, v14;
	v4 =	vshll.u32 v4, v1;
	[tilespmem:s26+$0x10] =	vst v6  }
0x8a: {  	v12 =	vor.u32 v2, v12;
	v6 =	vmov s30;
	v4 =	vor.u32 $0x6, v4;
	[tilespmem:s26+$0x20] =	vst v3  }
.Ltmp2:
0x8b: {  	s1 =	sadd.s32 $0x7, s0;
	v3 =	vshrl.u32 v6, $0x3;
	v6 =	vbroadcast v9, $0x0;
	v9 =	vbroadcast v4, $0x0;
	v4 =	vld.idx.msk [tilespmem:v11+s12+$0x0], $0xffff;
	[tilespmem:s26+$0xFFFFFFD0] =	vst v7;
	(pc) =	sbr.rel @p0 .LBB2_8-.Ltmp2, $4  }
0x8c: {  	v3 =	vshll.u32 v3, v1;
	v7 =	vor.u32 $0x4, v15;
	v11 =	vmov s1;
	[tilespmem:s26+$0xFFFFFFF0] =	vst v5  }
0x8d: {  	v5 =	vor.u32 $0x3, v3;
	v6 =	vor.u32 v2, v6;
	v3 =	vor.u32 v2, v9;
	[tilespmem:s26+$0x0] =	vst v8  }
0x8e: {  	v14 =	vor.u32 $0x7, v11;
	v9 =	vbroadcast v5, $0x0;
	v8 =	vbroadcast v7, $0x0;
	[tilespmem:s26+$0x30] =	vst v10  }
0x8f: {  	v11 =	vmov s0;
	v7 =	vor.u32 v2, v13;
	v10 =	vbroadcast v14, $0x0;
	s26 =	sadd.s32 $0x80, s26;
	v5 =	vld.idx.msk [tilespmem:v12+s12+$0x0], $0xffff  }
0x90: {  	_ = 	snop  }
0x91: {  	v11 =	vshrl.u32 v11, $0x3  }
0x92: {  	v9 =	vor.u32 v2, v9;
	v11 =	vshll.u32 v11, v1  }
0x93: {  	v8 =	vor.u32 v2, v8;
	v11 =	vbroadcast v11, $0x0  }
0x94: {  	v6 =	vld.idx.msk [tilespmem:v6+s12+$0x0], $0xffff;
	v10 =	vor.u32 v2, v10  }
0x95: {  	v3 =	vld.idx.msk [tilespmem:v3+s12+$0x0], $0xffff;
	v2 =	vor.u32 v2, v11  }
0x96: {  	v7 =	vld.idx.msk [tilespmem:v7+s12+$0x0], $0xffff  }
0x97: {  	[tilespmem:s29+$0xFFFFFFC0] =	vst v4;
	v61 =	vld.idx.msk [tilespmem:v9+s12+$0x0], $0xffff  }
0x98: {  	[tilespmem:s26+$0xFFFFFFE0] =	vst v5;
	v62 =	vld.idx.msk [tilespmem:v8+s12+$0x0], $0xffff  }
0x99: {  	s25 =	sadd.s32 $0x1, s25;
	[tilespmem:s26+$0x10] =	vst v6;
	v63 =	vld.idx.msk [tilespmem:v10+s12+$0x0], $0xffff  }
0x9a: {  	p0 =	sne.s32 s25, $0x32;
	[tilespmem:s26+$0x20] =	vst v3;
	v2 =	vld.idx.msk [tilespmem:v2+s12+$0x0], $0xffff  }
.Ltmp3:
0x9b: {  	[tilespmem:s26+$0xFFFFFFD0] =	vst v7;
	(pc) =	sbr.rel @p0 .LBB2_7-.Ltmp3, $4  }
0x9c: {  	[tilespmem:s26+$0xFFFFFFF0] =	vst v61  }
0x9d: {  	[tilespmem:s26+$0x0] =	vst v62  }
0x9e: {  	[tilespmem:s26+$0x30] =	vst v63  }
0x9f: {  	s24 =	sadd.s32 $0x200, s24;
	[tilespmem:s26+$0xFFFFFFC0] =	vst v2  }
0xa0: {  	s21 =	sadd.s32 $0x1, s21  }
0xa1: {  	p0 =	sne.s32 s21, $0x10  }
.Ltmp4:
0xa2: {  	s0 =	sshll.u32 s22, $0x4;
	(pc) =	sbr.rel @p0 .LBB2_2-.Ltmp4, $4  }
0xa3: {  	s0 =	sadd.s32 s6, s0  }
0xa4: {  	s0 =	sshrl.u32 s0, $0x3  }
0xa5: {  	s0 =	sadd.s32 s4, s0  }
0xa6: {  	[hbm4b:s0+s13] =	stream.strided.scatter [tilespmem:s17], [sflag:$0x4], $0x6400, s14, s13, $0x38;
	[tilespmem:$0x1F400] =	vst v63  }
0xa7: {  	s20 =	sadd.s32 $0x1, s20  }
0xa8: {  	_ =	swait.ge [sflag:s18], $0x6400;
	p0 =	sne.s32 s20, s7  }
.Ltmp5:
0xa9: {  	[sflag:s18] =	ssyncset.done $0x0;
	(pc) =	sbr.rel @p0 .LBB2_1-.Ltmp5, $4  }
0xaa: {  	[sflag:s18] =	ssyncadd.s32 $0xFFFF9C00  }
0xab: {  	_ =	swait.ge [sflag:s19], $0x6400  }
0xac: {  	[sflag:s19] =	ssyncset.done $0x0  }
0xad: {  	[sflag:s19] =	ssyncadd.s32 $0xFFFF9C00  }
0xae: {  	_ =	sfence.sel $0x180000  }
0xaf: {  	[bflag:$0x0] =	sbarrier.arrive $0xFFFF  }
0xb0: {  	_ =	strace $0x90000047  }
0xb1: {  	s0 =	stileid.u32;
	[bflag:$0x2] =	sbarrier.arrive $0xFFFF  }
0xb2: {  	p0 =	sne.s32 s0, $0x0;
	s0 =	rddreg [dreg:$0x2]  }
0xb3: {  	s0 =	sadd.s32 @!p0 $0x100000, s0  }
0xb4: {  	[sflag:s0] =	ssyncadd.tile.s32 @!p0 $0x1;
	_ =	shalt  }
.Lfunc_end2:
_tile_overlayer_lowered:
.L_overlay_start_2:
0xb5: {  	(tag) =	ssettag $0x2  }
0xb6: {  	s0 =	rddreg [dreg:$0x0];
	s2 =	stileid.u32  }
0xb7: {  	s1 =	rddreg [dreg:$0x1];
	p0 =	sne.s32 s2, $0x0  }
0xb8: {  	s3 =	rddreg [dreg:$0x2];
	[bflag:$0x3] =	sbarrier.arrive $0xFFFF;
	s2 =	simm.s32 @!p0 $0x1C05  }
0xb9: {  	[timem:s3], [sflag:s2] =	dma.local @!p0 [hbm:s0], s1  }
0xba: {  	s0 =	simm.s32 @!p0 $0x5  }
0xbb: {  	_ =	swait.ge @!p0 [sflag:s0], s1  }
0xbc: {  	s1 =	ssub.s32 @!p0 $0x0, s1;
	[sflag:s0] =	ssyncset.done @!p0 $0x0  }
0xbd: {  	[sflag:s0] =	ssyncadd.s32 @!p0 s1  }
0xbe: {  	[bflag:$0x3] =	sbarrier.arrive $0xFFFF  }
0xbf: {  	_ =	shalt  }

</sc_bundles>
